<compile_context>
chip_gen: v7x
topology: tpu7x:2x2x1
jax: 0.10.2.dev20260603
libtpu: 0.0.44.dev20260713+nightly
codegen_flags: <defaults>
</compile_context>

<pallas_src>
import functools

import jax
import jax.numpy as jnp
from jax import lax
from jax.experimental import pallas as pl
from jax.experimental.pallas import tpu as pltpu
from jax.experimental.pallas import tpu_sc as plsc

_L = 16
_B_SC = 2
_SLAB = 2


def _tc_mul_body(v_ref, w_ref, o_ref):
    o_ref[...] = v_ref[...] * w_ref[...]


def _sc_mul_body(v1_hbm, w_hbm, out_hbm, w_v, in_v, out_v):
    nc = lax.axis_size("c")
    wid = lax.axis_index("s") * nc + lax.axis_index("c")
    chunk = w_v.shape[0]
    base = wid * chunk
    pltpu.sync_copy(w_hbm.at[pl.ds(base, chunk)], w_v)

    def slab_body(sb, carry):
        b0 = sb * _SLAB
        pltpu.sync_copy(v1_hbm.at[pl.ds(b0, _SLAB), pl.ds(base, chunk)], in_v)

        def inner(i, c):
            s = pl.ds(i * _L, _L)
            wv = w_v[s]
            for r in range(_SLAB):
                out_v[r, s] = in_v[r, s] * wv
            return c

        lax.fori_loop(0, chunk // _L, inner, 0, unroll=4)
        pltpu.sync_copy(out_v, out_hbm.at[pl.ds(b0, _SLAB), pl.ds(base, chunk)])
        return carry

    lax.fori_loop(0, _B_SC // _SLAB, slab_body, 0)


def kernel(v1, weights, source_indices, target_indices):
    del source_indices, target_indices
    B, H, W = v1.shape
    N = H * W
    NW = 32
    chunk = N // NW
    b_tc = B - _B_SC

    sc_mul = functools.partial(
        pl.kernel,
        out_type=jax.ShapeDtypeStruct((_B_SC, N), jnp.float32),
        mesh=plsc.VectorSubcoreMesh(core_axis_name="c", subcore_axis_name="s"),
        scratch_types=[
            pltpu.VMEM((chunk,), jnp.float32),
            pltpu.VMEM((_SLAB, chunk), jnp.float32),
            pltpu.VMEM((_SLAB, chunk), jnp.float32),
        ],
    )(_sc_mul_body)
    sc_out = sc_mul(v1[b_tc:].reshape(_B_SC, N), weights)

    w_plane = weights.reshape(1, H, W)
    bb = 6
    tc_out = pl.pallas_call(
        _tc_mul_body,
        grid=(B // bb,),
        in_specs=[
            pl.BlockSpec((bb, H, W), lambda b: (b, 0, 0)),
            pl.BlockSpec((1, H, W), lambda b: (0, 0, 0)),
        ],
        out_specs=pl.BlockSpec((bb, H, W), lambda b: (b, 0, 0)),
        out_shape=jax.ShapeDtypeStruct((B, H, W), v1.dtype),
        compiler_params=pltpu.CompilerParams(
            dimension_semantics=("arbitrary",)),
    )(v1, w_plane)

    return lax.dynamic_update_slice(
        tc_out, sc_out.reshape(_B_SC, H, W), (b_tc, 0, 0))

# --- scband reference (transcript-rebuilt; emitter-appended) ---
"""Pipeline reference for scband-axonal-connections-53781580480529 (READ-ONLY COPY).

The authoritative reference and input builder live on the scoring server;
editing this copy changes nothing except your own understanding.
"""

import jax, jax.numpy as jnp
import numpy as np

S_H, S_W = 512, 512
T_H, T_W = 512, 512
STRIDE = 1
WEIGHT_SCALE = 1.0
BATCH = 32


def _build_indices():
    ssh = S_H // STRIDE
    ssw = S_W // STRIDE
    tsh = T_H // ssh if ssh > 0 else T_H
    tsw = T_W // ssw if ssw > 0 else T_W
    ni = min(ssh, T_H // tsh)
    nj = min(ssw, T_W // tsw)
    ii, jj = np.meshgrid(np.arange(ni), np.arange(nj), indexing='ij')
    si = ii * STRIDE
    sj = jj * STRIDE
    ti = ii * tsh
    tj = jj * tsw
    mask = (si < S_H) & (sj < S_W) & (ti < T_H) & (tj < T_W)
    src = (si * S_W + sj)[mask].astype(np.int64).ravel()
    tgt = (ti * T_W + tj)[mask].astype(np.int64).ravel()
    return src, tgt


def setup_inputs(seed: int = 0) -> dict:
    key = jax.random.key(seed)
    k1, k2 = jax.random.split(key)
    v1 = jax.random.uniform(k1, (BATCH, S_H, S_W), dtype=jnp.float32)
    src, tgt = _build_indices()
    n = src.shape[0]
    # matches torch init: abs(randn*0.3 + weight_scale) per connection
    weights = jnp.abs(jax.random.normal(k2, (n,), dtype=jnp.float32) * 0.3 + WEIGHT_SCALE)
    return {
        'v1': v1,
        'weights': weights,
        'source_indices': jnp.asarray(src),
        'target_indices': jnp.asarray(tgt),
    }


def reference(v1, weights, source_indices, target_indices):
    # torch forward: node_spikes = {'v1': v1}; returns axonal_inputs['v2']
    B = v1.shape[0]
    flat_spikes = v1.reshape(B, -1)
    source_values = flat_spikes[:, source_indices]            # gather [B, n_conn]
    weighted = source_values * weights[None, :]
    out = jnp.zeros((B, T_H * T_W), dtype=v1.dtype)
    out = out.at[:, target_indices].add(weighted)             # scatter-add
    return out.reshape(B, T_H, T_W)

if __name__ == "__main__":
    import jax
    _d = setup_inputs()
    print(jax.jit(kernel)(*tuple(_d.values())))

</pallas_src>

<mosaic_0001>
#map = affine_map<(d0, d1) -> (0, 0)>
#map1 = affine_map<(d0, d1) -> (0)>
module attributes {stable_mosaic.version = 14 : i64} {
  func.func @_sc_mul_body(%arg0: i32, %arg1: i32, %arg2: memref<2x262144xf32, #tpu.memory_space<hbm>>, %arg3: memref<262144xf32, #tpu.memory_space<hbm>>, %arg4: memref<2x262144xf32, #tpu.memory_space<hbm>>, %arg5: memref<8192xf32, #tpu.memory_space<vmem>>, %arg6: memref<2x8192xf32, #tpu.memory_space<vmem>>, %arg7: memref<2x8192xf32, #tpu.memory_space<vmem>>) attributes {dimension_semantics = [#tpu.dimension_semantics<core_parallel>, #tpu.dimension_semantics<subcore_parallel>], iteration_bounds = array<i64: 2, 16>, scalar_prefetch = 0 : i64, scratch_operands = 3 : i64, tpu.core_type = #tpu.core_type<sc_vector_subcore>, window_params = [{transform_indices = #map}, {transform_indices = #map1}, {transform_indices = #map}]} {
    %mul3A = arith.constant 2 : i32
    %mul3A_0 = arith.muli %arg1, %mul3A : i32
    %add3A = arith.addi %mul3A_0, %arg0 : i32
    %mul3A_1 = arith.constant 8192 : i32
    %mul3A_2 = arith.muli %add3A, %mul3A_1 : i32
    "tpu.region"() ({
      %run_scoped3A = tpu.sem_alloc : memref<!tpu.dma_semaphore, #tpu.memory_space<semaphore_mem>>
      %dma_start3A = tpu.memref_slice %arg3[%mul3A_2] : memref<262144xf32, #tpu.memory_space<hbm>> -> memref<8192xf32, #tpu.memory_space<hbm>>
      %dma_start3A_13 = tpu.memref_slice %arg3[%mul3A_2] : memref<262144xf32, #tpu.memory_space<hbm>> -> memref<8192xf32, #tpu.memory_space<hbm>>
      tpu.enqueue_dma source(%dma_start3A_13 : memref<8192xf32, #tpu.memory_space<hbm>>) target(%arg5 : memref<8192xf32, #tpu.memory_space<vmem>>) target_semaphore(%run_scoped3A : memref<!tpu.dma_semaphore, #tpu.memory_space<semaphore_mem>>)
      %dma_wait3A = tpu.memref_slice %arg3[%mul3A_2] : memref<262144xf32, #tpu.memory_space<hbm>> -> memref<8192xf32, #tpu.memory_space<hbm>>
      %dma_wait3A_14 = tpu.memref_slice %arg3[%mul3A_2] : memref<262144xf32, #tpu.memory_space<hbm>> -> memref<8192xf32, #tpu.memory_space<hbm>>
      tpu.wait_dma2 semaphore(%run_scoped3A : memref<!tpu.dma_semaphore, #tpu.memory_space<semaphore_mem>>) src(%dma_wait3A_14 : memref<8192xf32, #tpu.memory_space<hbm>>) dst(%arg5 : memref<8192xf32, #tpu.memory_space<vmem>>)
      tpu.yield
    }) : () -> ()
    %scan3A = arith.constant 0 : i32
    %scan3A_3 = arith.constant 0 : i32
    %mul3A_4 = arith.constant 2 : i32
    %mul3A_5 = arith.muli %scan3A_3, %mul3A_4 : i32
    "tpu.region"() ({
      %run_scoped3A = tpu.sem_alloc : memref<!tpu.dma_semaphore, #tpu.memory_space<semaphore_mem>>
      %dma_start3A = tpu.memref_slice %arg2[%mul3A_5, %mul3A_2] : memref<2x262144xf32, #tpu.memory_space<hbm>> -> memref<2x8192xf32, #tpu.memory_space<hbm>>
      %dma_start3A_13 = tpu.memref_slice %arg2[%mul3A_5, %mul3A_2] : memref<2x262144xf32, #tpu.memory_space<hbm>> -> memref<2x8192xf32, #tpu.memory_space<hbm>>
      tpu.enqueue_dma source(%dma_start3A_13 : memref<2x8192xf32, #tpu.memory_space<hbm>>) target(%arg6 : memref<2x8192xf32, #tpu.memory_space<vmem>>) target_semaphore(%run_scoped3A : memref<!tpu.dma_semaphore, #tpu.memory_space<semaphore_mem>>)
      %dma_wait3A = tpu.memref_slice %arg2[%mul3A_5, %mul3A_2] : memref<2x262144xf32, #tpu.memory_space<hbm>> -> memref<2x8192xf32, #tpu.memory_space<hbm>>
      %dma_wait3A_14 = tpu.memref_slice %arg2[%mul3A_5, %mul3A_2] : memref<2x262144xf32, #tpu.memory_space<hbm>> -> memref<2x8192xf32, #tpu.memory_space<hbm>>
      tpu.wait_dma2 semaphore(%run_scoped3A : memref<!tpu.dma_semaphore, #tpu.memory_space<semaphore_mem>>) src(%dma_wait3A_14 : memref<2x8192xf32, #tpu.memory_space<hbm>>) dst(%arg6 : memref<2x8192xf32, #tpu.memory_space<vmem>>)
      tpu.yield
    }) : () -> ()
    %scan3A_6 = arith.constant 0 : i32
    %scan3A_7 = arith.constant 0 : i32
    %scan3A_8 = arith.constant 512 : i32
    %scan3A_9 = arith.addi %scan3A_7, %scan3A_8 : i32
    %scan3A_10 = arith.constant 4 : i32
    scf.for %scan3A_13 = %scan3A_7 to %scan3A_9 step %scan3A_10  : i32 {
      %mul3A_14 = arith.constant 16 : i32
      %mul3A_15 = arith.muli %scan3A_13, %mul3A_14 : i32
      %get3A = arith.index_cast %mul3A_15 : i32 to index
      %get3A_16 = tpu.vector_load %arg5[%get3A] {strides = array<i32>} : memref<8192xf32, #tpu.memory_space<vmem>>, vector<16xf32>,
      %get3A_17 = vector.shape_cast %get3A_16 : vector<16xf32> to vector<16xf32>
      %get3A_18 = arith.constant 0 : i32
      %get3A_19 = arith.index_cast %get3A_18 : i32 to index
      %get3A_20 = arith.index_cast %mul3A_15 : i32 to index
      %get3A_21 = tpu.vector_load %arg6[%get3A_19, %get3A_20] {strides = array<i32>} : memref<2x8192xf32, #tpu.memory_space<vmem>>, vector<1x16xf32>,
      %get3A_22 = vector.shape_cast %get3A_21 : vector<1x16xf32> to vector<16xf32>
      %mul3A_23 = arith.mulf %get3A_22, %get3A_17 : vector<16xf32>
      %swap3A = arith.constant 0 : i32
      %swap3A_24 = arith.index_cast %swap3A : i32 to index
      %swap3A_25 = arith.index_cast %mul3A_15 : i32 to index
      %swap3A_26 = tpu.vector_load %arg7[%swap3A_24, %swap3A_25] {strides = array<i32>} : memref<2x8192xf32, #tpu.memory_space<vmem>>, vector<1x16xf32>,
      %swap3A_27 = vector.shape_cast %swap3A_26 : vector<1x16xf32> to vector<16xf32>
      %swap3A_28 = vector.shape_cast %mul3A_23 : vector<16xf32> to vector<1x16xf32>
      tpu.vector_store %arg7[%swap3A_24, %swap3A_25], %swap3A_28 {strides = array<i32>} : memref<2x8192xf32, #tpu.memory_space<vmem>>, vector<1x16xf32>,
      %get3A_29 = arith.constant 1 : i32
      %get3A_30 = arith.index_cast %get3A_29 : i32 to index
      %get3A_31 = arith.index_cast %mul3A_15 : i32 to index
      %get3A_32 = tpu.vector_load %arg6[%get3A_30, %get3A_31] {strides = array<i32>} : memref<2x8192xf32, #tpu.memory_space<vmem>>, vector<1x16xf32>,
      %get3A_33 = vector.shape_cast %get3A_32 : vector<1x16xf32> to vector<16xf32>
      %mul3A_34 = arith.mulf %get3A_33, %get3A_17 : vector<16xf32>
      %swap3A_35 = arith.constant 1 : i32
      %swap3A_36 = arith.index_cast %swap3A_35 : i32 to index
      %swap3A_37 = arith.index_cast %mul3A_15 : i32 to index
      %swap3A_38 = tpu.vector_load %arg7[%swap3A_36, %swap3A_37] {strides = array<i32>} : memref<2x8192xf32, #tpu.memory_space<vmem>>, vector<1x16xf32>,
      %swap3A_39 = vector.shape_cast %swap3A_38 : vector<1x16xf32> to vector<16xf32>
      %swap3A_40 = vector.shape_cast %mul3A_34 : vector<16xf32> to vector<1x16xf32>
      tpu.vector_store %arg7[%swap3A_36, %swap3A_37], %swap3A_40 {strides = array<i32>} : memref<2x8192xf32, #tpu.memory_space<vmem>>, vector<1x16xf32>,
      %scan3A_41 = arith.constant 1 : i32
      %scan3A_42 = arith.addi %scan3A_13, %scan3A_41 : i32
      %mul3A_43 = arith.constant 16 : i32
      %mul3A_44 = arith.muli %scan3A_42, %mul3A_43 : i32
      %get3A_45 = arith.index_cast %mul3A_44 : i32 to index
      %get3A_46 = tpu.vector_load %arg5[%get3A_45] {strides = array<i32>} : memref<8192xf32, #tpu.memory_space<vmem>>, vector<16xf32>,
      %get3A_47 = vector.shape_cast %get3A_46 : vector<16xf32> to vector<16xf32>
      %get3A_48 = arith.constant 0 : i32
      %get3A_49 = arith.index_cast %get3A_48 : i32 to index
      %get3A_50 = arith.index_cast %mul3A_44 : i32 to index
      %get3A_51 = tpu.vector_load %arg6[%get3A_49, %get3A_50] {strides = array<i32>} : memref<2x8192xf32, #tpu.memory_space<vmem>>, vector<1x16xf32>,
      %get3A_52 = vector.shape_cast %get3A_51 : vector<1x16xf32> to vector<16xf32>
      %mul3A_53 = arith.mulf %get3A_52, %get3A_47 : vector<16xf32>
      %swap3A_54 = arith.constant 0 : i32
      %swap3A_55 = arith.index_cast %swap3A_54 : i32 to index
      %swap3A_56 = arith.index_cast %mul3A_44 : i32 to index
      %swap3A_57 = tpu.vector_load %arg7[%swap3A_55, %swap3A_56] {strides = array<i32>} : memref<2x8192xf32, #tpu.memory_space<vmem>>, vector<1x16xf32>,
      %swap3A_58 = vector.shape_cast %swap3A_57 : vector<1x16xf32> to vector<16xf32>
      %swap3A_59 = vector.shape_cast %mul3A_53 : vector<16xf32> to vector<1x16xf32>
      tpu.vector_store %arg7[%swap3A_55, %swap3A_56], %swap3A_59 {strides = array<i32>} : memref<2x8192xf32, #tpu.memory_space<vmem>>, vector<1x16xf32>,
      %get3A_60 = arith.constant 1 : i32
      %get3A_61 = arith.index_cast %get3A_60 : i32 to index
      %get3A_62 = arith.index_cast %mul3A_44 : i32 to index
      %get3A_63 = tpu.vector_load %arg6[%get3A_61, %get3A_62] {strides = array<i32>} : memref<2x8192xf32, #tpu.memory_space<vmem>>, vector<1x16xf32>,
      %get3A_64 = vector.shape_cast %get3A_63 : vector<1x16xf32> to vector<16xf32>
      %mul3A_65 = arith.mulf %get3A_64, %get3A_47 : vector<16xf32>
      %swap3A_66 = arith.constant 1 : i32
      %swap3A_67 = arith.index_cast %swap3A_66 : i32 to index
      %swap3A_68 = arith.index_cast %mul3A_44 : i32 to index
      %swap3A_69 = tpu.vector_load %arg7[%swap3A_67, %swap3A_68] {strides = array<i32>} : memref<2x8192xf32, #tpu.memory_space<vmem>>, vector<1x16xf32>,
      %swap3A_70 = vector.shape_cast %swap3A_69 : vector<1x16xf32> to vector<16xf32>
      %swap3A_71 = vector.shape_cast %mul3A_65 : vector<16xf32> to vector<1x16xf32>
      tpu.vector_store %arg7[%swap3A_67, %swap3A_68], %swap3A_71 {strides = array<i32>} : memref<2x8192xf32, #tpu.memory_space<vmem>>, vector<1x16xf32>,
      %scan3A_72 = arith.constant 2 : i32
      %scan3A_73 = arith.addi %scan3A_13, %scan3A_72 : i32
      %mul3A_74 = arith.constant 16 : i32
      %mul3A_75 = arith.muli %scan3A_73, %mul3A_74 : i32
      %get3A_76 = arith.index_cast %mul3A_75 : i32 to index
      %get3A_77 = tpu.vector_load %arg5[%get3A_76] {strides = array<i32>} : memref<8192xf32, #tpu.memory_space<vmem>>, vector<16xf32>,
      %get3A_78 = vector.shape_cast %get3A_77 : vector<16xf32> to vector<16xf32>
      %get3A_79 = arith.constant 0 : i32
      %get3A_80 = arith.index_cast %get3A_79 : i32 to index
      %get3A_81 = arith.index_cast %mul3A_75 : i32 to index
      %get3A_82 = tpu.vector_load %arg6[%get3A_80, %get3A_81] {strides = array<i32>} : memref<2x8192xf32, #tpu.memory_space<vmem>>, vector<1x16xf32>,
      %get3A_83 = vector.shape_cast %get3A_82 : vector<1x16xf32> to vector<16xf32>
      %mul3A_84 = arith.mulf %get3A_83, %get3A_78 : vector<16xf32>
      %swap3A_85 = arith.constant 0 : i32
      %swap3A_86 = arith.index_cast %swap3A_85 : i32 to index
      %swap3A_87 = arith.index_cast %mul3A_75 : i32 to index
      %swap3A_88 = tpu.vector_load %arg7[%swap3A_86, %swap3A_87] {strides = array<i32>} : memref<2x8192xf32, #tpu.memory_space<vmem>>, vector<1x16xf32>,
      %swap3A_89 = vector.shape_cast %swap3A_88 : vector<1x16xf32> to vector<16xf32>
      %swap3A_90 = vector.shape_cast %mul3A_84 : vector<16xf32> to vector<1x16xf32>
      tpu.vector_store %arg7[%swap3A_86, %swap3A_87], %swap3A_90 {strides = array<i32>} : memref<2x8192xf32, #tpu.memory_space<vmem>>, vector<1x16xf32>,
      %get3A_91 = arith.constant 1 : i32
      %get3A_92 = arith.index_cast %get3A_91 : i32 to index
      %get3A_93 = arith.index_cast %mul3A_75 : i32 to index
      %get3A_94 = tpu.vector_load %arg6[%get3A_92, %get3A_93] {strides = array<i32>} : memref<2x8192xf32, #tpu.memory_space<vmem>>, vector<1x16xf32>,
      %get3A_95 = vector.shape_cast %get3A_94 : vector<1x16xf32> to vector<16xf32>
      %mul3A_96 = arith.mulf %get3A_95, %get3A_78 : vector<16xf32>
      %swap3A_97 = arith.constant 1 : i32
      %swap3A_98 = arith.index_cast %swap3A_97 : i32 to index
      %swap3A_99 = arith.index_cast %mul3A_75 : i32 to index
      %swap3A_100 = tpu.vector_load %arg7[%swap3A_98, %swap3A_99] {strides = array<i32>} : memref<2x8192xf32, #tpu.memory_space<vmem>>, vector<1x16xf32>,
      %swap3A_101 = vector.shape_cast %swap3A_100 : vector<1x16xf32> to vector<16xf32>
      %swap3A_102 = vector.shape_cast %mul3A_96 : vector<16xf32> to vector<1x16xf32>
      tpu.vector_store %arg7[%swap3A_98, %swap3A_99], %swap3A_102 {strides = array<i32>} : memref<2x8192xf32, #tpu.memory_space<vmem>>, vector<1x16xf32>,
      %scan3A_103 = arith.constant 3 : i32
      %scan3A_104 = arith.addi %scan3A_13, %scan3A_103 : i32
      %mul3A_105 = arith.constant 16 : i32
      %mul3A_106 = arith.muli %scan3A_104, %mul3A_105 : i32
      %get3A_107 = arith.index_cast %mul3A_106 : i32 to index
      %get3A_108 = tpu.vector_load %arg5[%get3A_107] {strides = array<i32>} : memref<8192xf32, #tpu.memory_space<vmem>>, vector<16xf32>,
      %get3A_109 = vector.shape_cast %get3A_108 : vector<16xf32> to vector<16xf32>
      %get3A_110 = arith.constant 0 : i32
      %get3A_111 = arith.index_cast %get3A_110 : i32 to index
      %get3A_112 = arith.index_cast %mul3A_106 : i32 to index
      %get3A_113 = tpu.vector_load %arg6[%get3A_111, %get3A_112] {strides = array<i32>} : memref<2x8192xf32, #tpu.memory_space<vmem>>, vector<1x16xf32>,
      %get3A_114 = vector.shape_cast %get3A_113 : vector<1x16xf32> to vector<16xf32>
      %mul3A_115 = arith.mulf %get3A_114, %get3A_109 : vector<16xf32>
      %swap3A_116 = arith.constant 0 : i32
      %swap3A_117 = arith.index_cast %swap3A_116 : i32 to index
      %swap3A_118 = arith.index_cast %mul3A_106 : i32 to index
      %swap3A_119 = tpu.vector_load %arg7[%swap3A_117, %swap3A_118] {strides = array<i32>} : memref<2x8192xf32, #tpu.memory_space<vmem>>, vector<1x16xf32>,
      %swap3A_120 = vector.shape_cast %swap3A_119 : vector<1x16xf32> to vector<16xf32>
      %swap3A_121 = vector.shape_cast %mul3A_115 : vector<16xf32> to vector<1x16xf32>
      tpu.vector_store %arg7[%swap3A_117, %swap3A_118], %swap3A_121 {strides = array<i32>} : memref<2x8192xf32, #tpu.memory_space<vmem>>, vector<1x16xf32>,
      %get3A_122 = arith.constant 1 : i32
      %get3A_123 = arith.index_cast %get3A_122 : i32 to index
      %get3A_124 = arith.index_cast %mul3A_106 : i32 to index
      %get3A_125 = tpu.vector_load %arg6[%get3A_123, %get3A_124] {strides = array<i32>} : memref<2x8192xf32, #tpu.memory_space<vmem>>, vector<1x16xf32>,
      %get3A_126 = vector.shape_cast %get3A_125 : vector<1x16xf32> to vector<16xf32>
      %mul3A_127 = arith.mulf %get3A_126, %get3A_109 : vector<16xf32>
      %swap3A_128 = arith.constant 1 : i32
      %swap3A_129 = arith.index_cast %swap3A_128 : i32 to index
      %swap3A_130 = arith.index_cast %mul3A_106 : i32 to index
      %swap3A_131 = tpu.vector_load %arg7[%swap3A_129, %swap3A_130] {strides = array<i32>} : memref<2x8192xf32, #tpu.memory_space<vmem>>, vector<1x16xf32>,
      %swap3A_132 = vector.shape_cast %swap3A_131 : vector<1x16xf32> to vector<16xf32>
      %swap3A_133 = vector.shape_cast %mul3A_127 : vector<16xf32> to vector<1x16xf32>
      tpu.vector_store %arg7[%swap3A_129, %swap3A_130], %swap3A_133 {strides = array<i32>} : memref<2x8192xf32, #tpu.memory_space<vmem>>, vector<1x16xf32>,
    }
    %scan3A_11 = arith.constant 512 : i32
    "tpu.region"() ({
      %run_scoped3A = tpu.sem_alloc : memref<!tpu.dma_semaphore, #tpu.memory_space<semaphore_mem>>
      %dma_start3A = tpu.memref_slice %arg4[%mul3A_5, %mul3A_2] : memref<2x262144xf32, #tpu.memory_space<hbm>> -> memref<2x8192xf32, #tpu.memory_space<hbm>>
      %dma_start3A_13 = tpu.memref_slice %arg4[%mul3A_5, %mul3A_2] : memref<2x262144xf32, #tpu.memory_space<hbm>> -> memref<2x8192xf32, #tpu.memory_space<hbm>>
      tpu.enqueue_dma source(%arg7 : memref<2x8192xf32, #tpu.memory_space<vmem>>) target(%dma_start3A_13 : memref<2x8192xf32, #tpu.memory_space<hbm>>) target_semaphore(%run_scoped3A : memref<!tpu.dma_semaphore, #tpu.memory_space<semaphore_mem>>)
      %dma_wait3A = tpu.memref_slice %arg4[%mul3A_5, %mul3A_2] : memref<2x262144xf32, #tpu.memory_space<hbm>> -> memref<2x8192xf32, #tpu.memory_space<hbm>>
      %dma_wait3A_14 = tpu.memref_slice %arg4[%mul3A_5, %mul3A_2] : memref<2x262144xf32, #tpu.memory_space<hbm>> -> memref<2x8192xf32, #tpu.memory_space<hbm>>
      tpu.wait_dma2 semaphore(%run_scoped3A : memref<!tpu.dma_semaphore, #tpu.memory_space<semaphore_mem>>) src(%arg7 : memref<2x8192xf32, #tpu.memory_space<vmem>>) dst(%dma_wait3A_14 : memref<2x8192xf32, #tpu.memory_space<hbm>>)
      tpu.yield
    }) : () -> ()
    %scan3A_12 = arith.constant 1 : i32
    return
  }
}

module attributes {stable_mosaic.version = 14 : i64} {
  func.func @_tc_mul_body(%arg0: i32, %arg1: memref<6x512x512xf32, #tpu.memory_space<vmem>>, %arg2: memref<1x512x512xf32, #tpu.memory_space<vmem>>, %arg3: memref<6x512x512xf32, #tpu.memory_space<vmem>>) attributes {dimension_semantics = [#tpu.dimension_semantics<arbitrary>], iteration_bounds = array<i64: 5>, scalar_prefetch = 0 : i64, scratch_operands = 0 : i64, tpu.core_type = #tpu.core_type<tc>, window_params = [{transform_indices = @transform_0, window_bounds = array<i64: 6, 512, 512>}, {pipeline_mode = #tpu.pipeline_mode<synchronous>, transform_indices = @transform_1, window_bounds = array<i64: 1, 512, 512>}, {transform_indices = @transform_2, window_bounds = array<i64: 6, 512, 512>}]} {
    %get3A = arith.constant 0 : index
    %get3A_0 = arith.constant 0 : index
    %get3A_1 = arith.constant 0 : index
    %get3A_2 = vector.load %arg1[%get3A, %get3A_0, %get3A_1] : memref<6x512x512xf32, #tpu.memory_space<vmem>>, vector<6x512x512xf32>
    %get3A_3 = arith.constant 0 : index
    %get3A_4 = arith.constant 0 : index
    %get3A_5 = arith.constant 0 : index
    %get3A_6 = vector.load %arg2[%get3A_3, %get3A_4, %get3A_5] : memref<1x512x512xf32, #tpu.memory_space<vmem>>, vector<1x512x512xf32>
    %mul3A = vector.broadcast %get3A_6 : vector<1x512x512xf32> to vector<6x512x512xf32>
    %mul3A_7 = arith.mulf %get3A_2, %mul3A : vector<6x512x512xf32>
    %swap3A = arith.constant 0 : index
    %swap3A_8 = arith.constant 0 : index
    %swap3A_9 = arith.constant 0 : index
    %swap3A_10 = vector.load %arg3[%swap3A, %swap3A_8, %swap3A_9] : memref<6x512x512xf32, #tpu.memory_space<vmem>>, vector<6x512x512xf32>
    tpu.vector_store %arg3[%swap3A, %swap3A_8, %swap3A_9], %mul3A_7 {strides = array<i32>} : memref<6x512x512xf32, #tpu.memory_space<vmem>>, vector<6x512x512xf32>,
    return
  }
  func.func @transform_0(%arg0: i32) -> (i32, i32, i32) {
    %c0_i32 = arith.constant 0 : i32
    %c0_i32_0 = arith.constant 0 : i32
    %c0_i32_1 = arith.constant 0 : i32
    return %arg0, %c0_i32, %c0_i32_0 : i32, i32, i32
  }
  func.func @transform_1(%arg0: i32) -> (i32, i32, i32) {
    %c0_i32 = arith.constant 0 : i32
    %c0_i32_0 = arith.constant 0 : i32
    %c0_i32_1 = arith.constant 0 : i32
    %c0_i32_2 = arith.constant 0 : i32
    return %c0_i32, %c0_i32_0, %c0_i32_1 : i32, i32, i32
  }
  func.func @transform_2(%arg0: i32) -> (i32, i32, i32) {
    %c0_i32 = arith.constant 0 : i32
    %c0_i32_0 = arith.constant 0 : i32
    %c0_i32_1 = arith.constant 0 : i32
    return %arg0, %c0_i32, %c0_i32_0 : i32, i32, i32
  }
}

</mosaic_0001>

<sc_bundles>
// kernel: kernel.4.cloned.1.call-start
scs
__scs_entry_jumppad:
0x0: {  	(pc) =	sbr.rel $0x88, $3  }
0x1: {  	(tag) =	ssettag $0x0;
	lr =	simm.s32 $0x1  }
0x2: {  	[smem:$0x3F9F] =	sst lr;
	_ =	strace $0xD0000000  }
0x3: {  	_ = 	snop  }
0x4: {  	_ = 	snop  }
0x5: {  	_ = 	snop  }
0x6: {  	_ = 	snop  }
0x7: {  	_ = 	snop  }
__scs_overlays_trampoline_lowered:
0x8: {  	[smem:$0x3FAE] =	sst s0  }
0x9: {  	[smem:$0x3FAF] =	sst s1  }
0xa: {  	[smem:$0x3FB0] =	sst s2  }
0xb: {  	[smem:$0x3FB1] =	sst s3  }
0xc: {  	[smem:$0x3FB2] =	sst s4  }
0xd: {  	[smem:$0x3FB3] =	sst s5  }
0xe: {  	[smem:$0x3FB4] =	sst s6  }
0xf: {  	[smem:$0x3FB5] =	sst s7  }
0x10: {  	[smem:$0x3FB6] =	sst s8  }
0x11: {  	[smem:$0x3FB7] =	sst s9;
	s0 =	simm.s32 @!p0 $0x0  }
0x12: {  	s1 =	sld [smem:$0x3F9D];
	s0 =	simm.s32 @p0 $0x1  }
0x13: {  	[smem:$0x3FB8] =	sst s0;
	s0 =	simm.s32 @!p1 $0x0  }
0x14: {  	s2 =	sld [smem:$0x3F9C];
	s0 =	simm.s32 @p1 $0x1  }
0x15: {  	[smem:$0x3FB9] =	sst s0;
	s0 =	simm.s32 @!p2 $0x0  }
0x16: {  	s3 =	sld [smem:$0x3FDB];
	s0 =	simm.s32 @p2 $0x1  }
0x17: {  	s4 =	simm.s32 $0x1BF5;
	[smem:$0x3FBB] =	sst s0  }
0x18: {  	s0 =	sld [smem:$0x3F9E];
	_ =	swait.ge [sflag:s4], $0x0  }
0x19: {  	s7 =	sld [smem:$0x3F9F]  }
0x1a: {  	s8 =	sadd.s32 $0xFFFFE003, lr  }
0x1b: {  	s9 =	sadd.s32 $0xFFFFFEF7, lr;
	s5 =	simm.s32 $0xFFFFFFFF;
	p2 =	slt.u32 s8, $0xFFFFF086  }
0x1c: {  	p1 =	slt.u32 s9, $0xF7A;
	s5 =	simm.s32 @!p2 $0x0  }
0x1d: {  	s5 =	simm.s32 @p1 $0x1;
	p0 =	seq.s32 s7, s2  }
0x1e: {  	s7 =	smul.u32 @!p0 $0xF7A, s2;
	p2 =	seq.s32 @!p0 s5, $0x0  }
0x1f: {  	s9 =	smul.u32 $0xF7A, s1;
	s8 =	simm.s32 @!p0 $0x1BF5;
	p2 =	por !p2, p0  }
0x20: {  	[sflag:s8] =	ssyncset.s32 @!p0 $0xFFFFF086;
	s6 =	sadd.s32 @!p0 s3, s7;
	s7 =	simm.s32 @!p0 $0x108  }
0x21: {  	s3 =	sadd.s32 s3, s9;
	s6 =	sadd.s32 @!p0 $0x88, s6;
	s7 =	simm.s32 @p2 $0x1082  }
0x22: {  	[simem:s7], [sflag:s8] =	dma.local @!p0 [hbm:s6], $0xF7A  }
0x23: {  	s9 =	sor.u32 $0xD0000000, s2;
	s6 =	simm.s32 $0x108;
	_ =	swait.ge @!p0 [sflag:s8], $0x0  }
0x24: {  	s3 =	sadd.s32 $0x88, s3;
	s6 =	simm.s32 @!p1 $0x1082;
	[sflag:s4] =	ssyncset.s32 $0xFFFFF086  }
0x25: {  	[simem:s6], [sflag:s4] =	dma.local [hbm:s3], $0xF7A  }
0x26: {  	[smem:$0x3F9F] =	sst s1;
	(tag) =	ssettag s2;
	_ =	strace s9  }
0x27: {  	s1 =	sld [smem:$0x3FAF]  }
0x28: {  	s2 =	sld [smem:$0x3FB0]  }
0x29: {  	s4 =	sld [smem:$0x3FB2]  }
0x2a: {  	p0 =	seq.s32 s5, $0x0;
	s5 =	sld [smem:$0x3FB3]  }
0x2b: {  	s6 =	sld [smem:$0x3FB4]  }
0x2c: {  	s7 =	sld [smem:$0x3FB5]  }
0x2d: {  	s3 =	simm.s32 $0x108;
	s8 =	sld [smem:$0x3FB6]  }
0x2e: {  	s3 =	simm.s32 @!p0 $0x1082;
	s9 =	sld [smem:$0x3FB7]  }
0x2f: {  	lr =	sadd.s32 s0, s3;
	s0 =	sld [smem:$0x3FAE]  }
0x30: {  	s3 =	sld [smem:$0x3FB1]  }
0x31: {  	[smem:$0x3FBA] =	sst s10  }
0x32: {  	s10 =	sld [smem:$0x3FB8];
	_ =	sdelay $0x3  }
0x33: {  	p0 =	seq.s32 s10, $0x1;
	s10 =	sld [smem:$0x3FBA];
	_ =	sdelay $0x3  }
0x34: {  	[smem:$0x3FBA] =	sst s10  }
0x35: {  	s10 =	sld [smem:$0x3FB9];
	_ =	sdelay $0x3  }
0x36: {  	p1 =	seq.s32 s10, $0x1;
	s10 =	sld [smem:$0x3FBA];
	_ =	sdelay $0x3  }
0x37: {  	[smem:$0x3FBA] =	sst s10  }
0x38: {  	s10 =	sld [smem:$0x3FBB]  }
0x39: {  	_ = 	snop;
	(pc) =	sbr.ind lr, $3  }
0x3a: {  	_ = 	snop  }
0x3b: {  	_ = 	snop  }
0x3c: {  	p2 =	seq.s32 s10, $0x1;
	s10 =	sld [smem:$0x3FBA]  }
0x3d: {  	_ =	shalt  }
0x3e: {  	_ =	shalt  }
0x3f: {  	_ =	shalt  }
0x40: {  	_ =	shalt  }
0x41: {  	_ =	shalt  }
0x42: {  	_ =	shalt  }
0x43: {  	_ =	shalt  }
0x44: {  	_ =	shalt  }
0x45: {  	_ =	shalt  }
0x46: {  	_ =	shalt  }
0x47: {  	_ =	shalt  }
0x48: {  	_ =	shalt  }
0x49: {  	_ =	shalt  }
0x4a: {  	_ =	shalt  }
0x4b: {  	_ =	shalt  }
0x4c: {  	_ =	shalt  }
0x4d: {  	_ =	shalt  }
0x4e: {  	_ =	shalt  }
0x4f: {  	_ =	shalt  }
0x50: {  	_ =	shalt  }
0x51: {  	_ =	shalt  }
0x52: {  	_ =	shalt  }
0x53: {  	_ =	shalt  }
0x54: {  	_ =	shalt  }
0x55: {  	_ =	shalt  }
0x56: {  	_ =	shalt  }
0x57: {  	_ =	shalt  }
0x58: {  	_ =	shalt  }
0x59: {  	_ =	shalt  }
0x5a: {  	_ =	shalt  }
0x5b: {  	_ =	shalt  }
0x5c: {  	_ =	shalt  }
0x5d: {  	_ =	shalt  }
0x5e: {  	_ =	shalt  }
0x5f: {  	_ =	shalt  }
0x60: {  	_ =	shalt  }
0x61: {  	_ =	shalt  }
0x62: {  	_ =	shalt  }
0x63: {  	_ =	shalt  }
0x64: {  	_ =	shalt  }
0x65: {  	_ =	shalt  }
0x66: {  	_ =	shalt  }
0x67: {  	_ =	shalt  }
0x68: {  	_ =	shalt  }
0x69: {  	_ =	shalt  }
0x6a: {  	_ =	shalt  }
0x6b: {  	_ =	shalt  }
0x6c: {  	_ =	shalt  }
0x6d: {  	_ =	shalt  }
0x6e: {  	_ =	shalt  }
0x6f: {  	_ =	shalt  }
0x70: {  	_ =	shalt  }
0x71: {  	_ =	shalt  }
0x72: {  	_ =	shalt  }
0x73: {  	_ =	shalt  }
0x74: {  	_ =	shalt  }
0x75: {  	_ =	shalt  }
0x76: {  	_ =	shalt  }
0x77: {  	_ =	shalt  }
0x78: {  	_ =	shalt  }
0x79: {  	_ =	shalt  }
0x7a: {  	_ =	shalt  }
0x7b: {  	_ =	shalt  }
0x7c: {  	_ =	shalt  }
0x7d: {  	_ =	shalt  }
0x7e: {  	_ =	shalt  }
0x7f: {  	_ =	shalt  }
0x80: {  	_ =	shalt  }
0x81: {  	_ =	shalt  }
0x82: {  	_ =	shalt  }
0x83: {  	_ =	shalt  }
0x84: {  	_ =	shalt  }
0x85: {  	_ =	shalt  }
0x86: {  	_ =	shalt  }
0x87: {  	_ =	shalt  }
.Lfunc_end0:
.L_simem_size_0:
called_computation_lowered:
.L_overlay_start_0:
0x88: {  	s2 =	sld [smem:$0x3FD9]  }
0x89: {  	s3 =	sld [smem:$0x3FFE];
	_ =	sdelay $0x1  }
0x8a: {  	s1 =	srdreg.scid  }
0x8b: {  	s0 =	sand.u32 $0x1, s1  }
0x8c: {  	s17 =	sshll.u32 s0, $0xA;
	s2 =	sadd.s32 s3, s2  }
0x8d: {  	s2 =	sadd.s32 s2, s17  }
0x8e: {  	[smem:$0x3FC6] =	sst s2  }
0x8f: {  	_ = 	snop  }
0x90: {  	s2 =	sld [smem:$0x3FC8];
	(tm) =	ssettm $0x1  }
0x91: {  	s18 =	sld [smem:$0x3FFB];
	_ =	sdelay $0x3  }
0x92: {  	_ =	strace s18  }
0x93: {  	s3 =	sld [smem:$0x3FFC];
	_ =	sdelay $0x3  }
0x94: {  	_ =	strace s3  }
0x95: {  	s3 =	sld [smem:$0x3FFD];
	_ =	sdelay $0x3  }
0x96: {  	_ =	strace s3  }
0x97: {  	_ =	strace $0x8FFFFFFF  }
0x98: {  	s19 =	sld [smem:$0x3FDB];
	_ =	sdelay $0x1  }
0x99: {  	s4 =	simm.s32 $_scs_section_size  }
0x9a: {  	s5 =	simm.s32 $_size__tile_overlayer_lowered;
	s6 =	simm.s32 $_tile_overlayer_lowered  }
0x9b: {  	s22 =	simm.s32 $0x1BFF;
	s21 =	sshll.u32 s6, $0x1;
	s3 =	sadd.s32 s4, s19  }
0x9c: {  	s7 =	simm.s32 $0x0;
	s20 =	sshll.u32 s5, $0x1;
	s5 =	sadd.s32 s21, s3  }
0x9d: {  	[timem:s7], [sflag:s22] =	dma.local [hbm:s5], s20  }
0x9e: {  	_ =	swait.ge [sflag:s22], s20  }
0x9f: {  	s4 =	ssub.s32 $0x0, s20;
	[sflag:s22] =	ssyncset.done $0x0  }
0xa0: {  	[sflag:s22] =	ssyncadd.s32 s4;
	_ =	sdelay $0x1  }
0xa1: {  	s23 =	simm.s32 $0x1B8B  }
0xa2: {  	_ =	swait.ge [sflag:s23], $0x1  }
0xa3: {  	[sflag:s23] =	ssyncset.done $0x0  }
0xa4: {  	s25 =	simm.s32 $0x1B8E;
	s24 =	sld [smem:$0x3FFE];
	[sflag:s23] =	ssyncadd.s32 $0xFFFFFFFF  }
0xa5: {  	s26 =	simm.s32 $execute0_lowered;
	[smem:$0x3FD2] =	sst s25  }
0xa6: {  	s5 =	sshll.u32 s26, $0x1;
	_ =	strace $0x80000046;
	[dreg:$0x1] =	wrdreg $0xFFFFFFFF  }
0xa7: {  	s28 =	simm.s32 $_size_execute0_lowered;
	s3 =	sadd.s32 s3, s5;
	[dreg:$0x0] =	wrdreg $0x0  }
0xa8: {  	s5 =	sshll.u32 s28, $0x1;
	[dreg:$0x2] =	wrdreg s3  }
0xa9: {  	[dreg:$0x3] =	wrdreg s5  }
0xaa: {  	[dreg:$0x4] =	wrdreg $0xC0  }
0xab: {  	_ =	task [dreg:s7], $0x5FFFF  }
0xac: {  	[dreg:$0x1] =	wrdreg $0xFFFFFFFF  }
0xad: {  	[dreg:$0x0] =	wrdreg $0x60  }
0xae: {  	[dreg:$0x2] =	wrdreg s24  }
0xaf: {  	[dreg:$0x3] =	wrdreg s2  }
0xb0: {  	[dreg:$0x4] =	wrdreg $0x9  }
0xb1: {  	_ =	task.clear_ibuf [dreg:s7], $0x5FFFF;
	_ =	strace $0x90000046  }
0xb2: {  	s29 =	simm.s32 $0x9;
	_ =	strace $0x80000048  }
0xb3: {  	_ =	swait.ge [sflag:s29], $0x1  }
0xb4: {  	[sflag:s29] =	ssyncadd.s32 $0xFFFFFFFF  }
0xb5: {  	_ =	strace $0x90000048  }
0xb6: {  	_ =	sfence  }
0xb7: {  	s30 =	sld [smem:$0x0];
	_ =	sdelay $0x2  }
0xb8: {  	s31 =	sshll.u32 s1, $0xD;
	s1 =	sshrl.u32 s1, $0x2  }
0xb9: {  	s3 =	sand.u32 $0x4000, s31;
	s1 =	sadd.s32 s1, s30  }
0xba: {  	s0 =	sor.u32 s3, s0;
	s1 =	sshll.u32 s1, $0x11  }
0xbb: {  	s0 =	sor.u32 s1, s0  }
0xbc: {  	s0 =	sadd.s32 $0x8F2B, s0  }
0xbd: {  	[sflag:s0] =	ssyncadd.remote.s32 $0x1  }
0xbe: {  	_ =	sfence.sel $0xFFFF  }
0xbf: {  	[dreg:$0x0] =	wrdreg $0xFFFFFFFF;
	(pc) =	sbr.abs _section_cstart, $3  }
0xc0: {  	[dreg:$0x1] =	wrdreg $0xFFFFFFFF  }
0xc1: {  	_ =	task.clear_ibuf [dreg:s7], $0x2FFFF;
	_ =	strace $0x9FFFFFFF  }
0xc2: {  	(tm) =	ssettm $0x7FFFFFFF  }
0xc3: {  	_ =	shalt  }
tec
execute0_lowered:
.L_overlay_start_1:
0x0: {  	(tag) =	ssettag $0x1  }
0x1: {  	s3 =	rddreg [dreg:$0x0]  }
0x2: {  	s4 =	rddreg [dreg:$0x1];
	s2 =	srdreg.scid  }
0x3: {  	s0 =	rddreg [dreg:$0x2];
	s1 =	stileid.u32  }
0x4: {  	s9 =	simm.s32 $0x6000;
	s10 =	simm.s32 $0x0;
	s5 =	sand.u32 $0x1, s2  }
0x5: {  	s2 =	simm.s32 $0x0;
	s6 =	sshll.u32 s1, $0xE;
	s7 =	sshll.u32 s5, $0xD  }
0x6: {  	[smem:$0x7FF] =	sst s2;
	s5 =	ssub.s32 $0x2, s5;
	s6 =	sor.u32 s7, s6  }
0x7: {  	_ =	strace $0x80000047;
	s31 =	sshrl.u32 s5, $0x1;
	s7 =	sshrl.u32 s6, $0x2  }
0x8: {  	s6 =	sshrl.u32 s6, $0x3;
	s8 =	ssub.s32 s5, s31;
	s7 =	sadd.s32 s7, s3  }
0x9: {  	s3 =	sadd.s32 s4, s6;
	s6 =	smax.u32 s8, $0x1;
	s8 =	simm.s32 $0x2000  }
0xa: {  	s4 =	sadd.s32 $0x400, s7;
	s5 =	sadd.s32 $0x10400, s7;
	s7 =	simm.s32 $0x1  }
.LBB2_1:
0xb: {  	[tilespmem:s2], [sflag:$0x1] =	stream.linear.gather [hbm4b:s3+s2], $0x2000, $0x38;
	[tilespmem:$0xA000] =	vst v63  }
0xc: {  	_ =	swait.ge [sflag:s7], $0x2000  }
0xd: {  	[sflag:s7] =	ssyncset.done $0x0  }
0xe: {  	[sflag:s7] =	ssyncadd.s32 $0xFFFFE000  }
0xf: {  	[tilespmem:s8], [sflag:$0x1] =	stream.linear.gather [hbm4b:s4+s2], $0x4000, $0x38;
	[tilespmem:$0xA000] =	vst v63  }
0x10: {  	_ =	swait.ge [sflag:s7], $0x4000  }
0x11: {  	[sflag:s7] =	ssyncset.done $0x0  }
0x12: {  	s11 =	sand.u32 $0x40, s2;
	s12 =	sand.u32 $0x3F00, s2;
	[sflag:s7] =	ssyncadd.s32 $0xFFFFC000  }
0x13: {  	s13 =	sor.u32 s11, s12;
	v0 =	vld [tilespmem:s2+$0x0]  }
0x14: {  	v1 =	vld [tilespmem:s13+$0x2000];
	_ =	sdelay $0x2  }
0x15: {  	p0 =	por $0x0, $0x0;
	s14 =	simm.s32 $0x1  }
0x16: {  	s14 =	simm.s32 @!p0 $0x0  }
0x17: {  	s14 =	sshll.u32 s14, $0x6;
	v1 =	vmul.f32 v1, v0  }
0x18: {  	s14 =	sadd.s32 $0x0, s14  }
0x19: {  	s23 =	sor.u32 $0x80, s14;
	[tilespmem:s13+$0x6000] =	vst v1  }
0x1a: {  	v1 =	vld [tilespmem:s23+$0x2000];
	_ =	sdelay $0x4  }
0x1b: {  	v0 =	vmul.f32 v1, v0  }
0x1c: {  	s16 =	sand.u32 $0x1F80, s2;
	s15 =	sor.u32 $0x10, s11  }
0x1d: {  	s24 =	sor.u32 s15, s16;
	[tilespmem:s23+$0x6000] =	vst v0  }
0x1e: {  	s15 =	sor.u32 s12, s15;
	v0 =	vld [tilespmem:s24+$0x0]  }
0x1f: {  	v1 =	vld [tilespmem:s15+$0x2000];
	_ =	sdelay $0x4  }
0x20: {  	v1 =	vmul.f32 v1, v0  }
0x21: {  	s25 =	sadd.s32 $0x10, s14  }
0x22: {  	s13 =	sor.u32 $0x80, s25;
	[tilespmem:s15+$0x6000] =	vst v1  }
0x23: {  	v1 =	vld [tilespmem:s13+$0x2000];
	_ =	sdelay $0x4  }
0x24: {  	v0 =	vmul.f32 v1, v0  }
0x25: {  	s26 =	sor.u32 $0x20, s11  }
0x26: {  	s17 =	sor.u32 s26, s16;
	[tilespmem:s13+$0x6000] =	vst v0  }
0x27: {  	s28 =	sor.u32 s12, s26;
	v0 =	vld [tilespmem:s17+$0x0]  }
0x28: {  	v1 =	vld [tilespmem:s28+$0x2000];
	_ =	sdelay $0x4  }
0x29: {  	v1 =	vmul.f32 v1, v0  }
0x2a: {  	s29 =	sadd.s32 $0x20, s14  }
0x2b: {  	s15 =	sor.u32 $0x80, s29;
	[tilespmem:s28+$0x6000] =	vst v1  }
0x2c: {  	v1 =	vld [tilespmem:s15+$0x2000];
	_ =	sdelay $0x4  }
0x2d: {  	v0 =	vmul.f32 v1, v0  }
0x2e: {  	s11 =	sor.u32 $0x30, s11  }
0x2f: {  	s30 =	sor.u32 s11, s16;
	[tilespmem:s15+$0x6000] =	vst v0  }
0x30: {  	s12 =	sor.u32 s12, s11;
	v0 =	vld [tilespmem:s30+$0x0]  }
0x31: {  	v1 =	vld [tilespmem:s12+$0x2000];
	_ =	sdelay $0x4  }
0x32: {  	v1 =	vmul.f32 v1, v0  }
0x33: {  	s31 =	sadd.s32 $0x30, s14  }
0x34: {  	s17 =	sor.u32 $0x80, s31;
	[tilespmem:s12+$0x6000] =	vst v1  }
0x35: {  	v1 =	vld [tilespmem:s17+$0x2000];
	_ =	sdelay $0x1  }
0x36: {  	s11 =	simm.s32 $0x0  }
0x37: {  	s14 =	simm.s32 $0x0;
	s13 =	simm.s32 $0x40;
	s12 =	simm.s32 $0x40  }
.LBB2_2:
0x38: {  	s11 =	sadd.s32 $0x4, s11;
	s14 =	sadd.s32 $0x80, s14;
	p0 =	por !p0, !p0  }
0x39: {  	p1 =	slt.u32 s11, $0x1FC;
	v0 =	vmul.f32 v1, v0;
	_ =	sdelay $0x1  }
0x3a: {  	s16 =	sand.u32 $0x40, s12;
	s15 =	sand.u32 $0x3F00, s14;
	[tilespmem:s17+$0x6000] =	vst v0  }
0x3b: {  	s18 =	sor.u32 $0x10, s16;
	s19 =	sor.u32 $0x20, s16;
	s17 =	sor.u32 s16, s15;
	v0 =	vld [tilespmem:s13+$0x0]  }
0x3c: {  	v1 =	vld [tilespmem:s17+$0x2000];
	_ =	sdelay $0x2  }
0x3d: {  	s20 =	simm.s32 $0x1  }
0x3e: {  	s20 =	simm.s32 @!p0 $0x0  }
0x3f: {  	s20 =	sshll.u32 s20, $0x6;
	v1 =	vmul.f32 v1, v0  }
0x40: {  	s20 =	sadd.s32 s20, s14  }
0x41: {  	s21 =	sor.u32 $0x80, s20;
	s22 =	sadd.s32 $0x10, s20;
	s23 =	sadd.s32 $0x20, s20;
	[tilespmem:s17+$0x6000] =	vst v1  }
0x42: {  	s17 =	sadd.s32 $0x30, s20;
	v1 =	vld [tilespmem:s21+$0x2000];
	_ =	sdelay $0x4  }
0x43: {  	v0 =	vmul.f32 v1, v0  }
0x44: {  	s20 =	sand.u32 $0x1F80, s12  }
0x45: {  	s24 =	sor.u32 s19, s20;
	[tilespmem:s21+$0x6000] =	vst v0;
	s21 =	sor.u32 s18, s20;
	s18 =	sor.u32 s15, s18  }
0x46: {  	v0 =	vld [tilespmem:s21+$0x0]  }
0x47: {  	v1 =	vld [tilespmem:s18+$0x2000];
	_ =	sdelay $0x4  }
0x48: {  	v1 =	vmul.f32 v1, v0  }
0x49: {  	s21 =	sor.u32 $0x80, s22  }
0x4a: {  	[tilespmem:s18+$0x6000] =	vst v1  }
0x4b: {  	v1 =	vld [tilespmem:s21+$0x2000];
	_ =	sdelay $0x4  }
0x4c: {  	v0 =	vmul.f32 v1, v0;
	_ =	sdelay $0x1  }
0x4d: {  	s18 =	sor.u32 s15, s19;
	[tilespmem:s21+$0x6000] =	vst v0  }
0x4e: {  	v0 =	vld [tilespmem:s24+$0x0]  }
0x4f: {  	v1 =	vld [tilespmem:s18+$0x2000];
	_ =	sdelay $0x4  }
0x50: {  	s19 =	sor.u32 $0x80, s23;
	v1 =	vmul.f32 v1, v0;
	_ =	sdelay $0x1  }
0x51: {  	[tilespmem:s18+$0x6000] =	vst v1  }
0x52: {  	v1 =	vld [tilespmem:s19+$0x2000];
	_ =	sdelay $0x4  }
0x53: {  	v0 =	vmul.f32 v1, v0  }
0x54: {  	s16 =	sor.u32 $0x30, s16  }
0x55: {  	s15 =	sor.u32 s15, s16;
	s18 =	sor.u32 s16, s20;
	[tilespmem:s19+$0x6000] =	vst v0  }
0x56: {  	v0 =	vld [tilespmem:s18+$0x0]  }
0x57: {  	v1 =	vld [tilespmem:s15+$0x2000];
	_ =	sdelay $0x3  }
0x58: {  	s17 =	sor.u32 $0x80, s17  }
0x59: {  	v1 =	vmul.f32 v1, v0;
	_ =	sdelay $0x1  }
.Ltmp0:
0x5a: {  	[tilespmem:s15+$0x6000] =	vst v1;
	(pc) =	sbr.rel @p1 .LBB2_2-.Ltmp0, $2  }
0x5b: {  	v1 =	vld [tilespmem:s17+$0x2000];
	_ =	sdelay $0x2  }
0x5c: {  	s13 =	sadd.s32 $0x40, s13;
	s12 =	sadd.s32 $0x40, s12  }
0x5d: {  	_ = 	snop  }
0x5e: {  	s10 =	sadd.s32 $0x1, s10;
	v0 =	vmul.f32 v1, v0  }
0x5f: {  	p0 =	sne.s32 s10, s6  }
.Ltmp1:
0x60: {  	[tilespmem:s17+$0x6000] =	vst v0;
	(pc) =	sbr.rel @p0 .LBB2_1-.Ltmp1, $4  }
0x61: {  	[hbm4b:s5+s2] =	stream.linear.scatter [tilespmem:s9], [sflag:$0x1], $0x4000, $0x38;
	[tilespmem:$0xA000] =	vst v63  }
0x62: {  	_ =	swait.ge [sflag:s7], $0x4000  }
0x63: {  	[sflag:s7] =	ssyncset.done $0x0  }
0x64: {  	[sflag:s7] =	ssyncadd.s32 $0xFFFFC000  }
0x65: {  	_ =	sfence.sel $0x180000  }
0x66: {  	[bflag:$0x0] =	sbarrier.arrive $0xFFFF  }
0x67: {  	p0 =	sne.s32 s1, $0x0;
	_ =	strace $0x90000047  }
0x68: {  	s0 =	sadd.s32 @!p0 $0x100000, s0;
	[bflag:$0x2] =	sbarrier.arrive $0xFFFF  }
0x69: {  	[sflag:s0] =	ssyncadd.tile.s32 @!p0 $0x1;
	_ =	shalt  }
.Lfunc_end2:
_tile_overlayer_lowered:
.L_overlay_start_2:
0x6a: {  	(tag) =	ssettag $0x2  }
0x6b: {  	s0 =	rddreg [dreg:$0x0];
	s2 =	stileid.u32  }
0x6c: {  	s1 =	rddreg [dreg:$0x1];
	p0 =	sne.s32 s2, $0x0  }
0x6d: {  	s3 =	rddreg [dreg:$0x2];
	[bflag:$0x3] =	sbarrier.arrive $0xFFFF;
	s2 =	simm.s32 @!p0 $0x1C01  }
0x6e: {  	[timem:s3], [sflag:s2] =	dma.local @!p0 [hbm:s0], s1  }
0x6f: {  	s0 =	simm.s32 @!p0 $0x1  }
0x70: {  	_ =	swait.ge @!p0 [sflag:s0], s1  }
0x71: {  	s1 =	ssub.s32 @!p0 $0x0, s1;
	[sflag:s0] =	ssyncset.done @!p0 $0x0  }
0x72: {  	[sflag:s0] =	ssyncadd.s32 @!p0 s1  }
0x73: {  	[bflag:$0x3] =	sbarrier.arrive $0xFFFF  }
0x74: {  	_ =	shalt  }

</sc_bundles>
